<compile_context>
chip_gen: v7x
topology: tpu7x:2x2x1
jax: 0.10.2.dev20260603
libtpu: 0.0.44.dev20260713+nightly
codegen_flags: <defaults>
</compile_context>

<pallas_src>
import functools

import jax
import jax.numpy as jnp
from jax import lax
from jax.experimental import pallas as pl
from jax.experimental.pallas import tpu as pltpu
from jax.experimental.pallas import tpu_sc as plsc

NUM_ROWS = 100000
DIM = 128
TOTAL = 1024 * 200

NC = 2
NS = 16
NW = NC * NS
PER_W = TOTAL // NW
CHUNK = 128
NCHUNK = PER_W // CHUNK
NB = 6
GRP = 2
NP = NB // GRP
NMAIN = (NCHUNK // NB) * NB


def _sc_gather(idx, weight):
    mesh = plsc.VectorSubcoreMesh(core_axis_name="c", subcore_axis_name="s")

    @functools.partial(
        pl.kernel,
        mesh=mesh,
        out_type=jax.ShapeDtypeStruct((TOTAL, DIM), jnp.float32),
        scratch_types=[
            pltpu.VMEM((PER_W,), jnp.int32),
            pltpu.VMEM((NB * CHUNK, DIM), jnp.float32),
        ] + [pltpu.SemaphoreType.DMA] * (NB + NP),
    )
    def k(table_hbm, idx_hbm, out_hbm, idx_v, stage, *sems):
        gsems = sems[:NB]
        osems = sems[NB:]
        wid = lax.axis_index("s") * NC + lax.axis_index("c")
        base = wid * PER_W
        pltpu.sync_copy(idx_hbm.at[wid], idx_v)

        def slot(b, n=1):
            return stage.at[pl.ds(b * CHUNK, n * CHUNK)]

        def oslice(j, n=1):
            return out_hbm.at[pl.ds(base + j * CHUNK, n * CHUNK)]

        def gather(j, b):
            return pltpu.async_copy(
                table_hbm.at[idx_v.at[pl.ds(j * CHUNK, CHUNK)]],
                slot(b), gsems[b])

        @pl.loop(0, NMAIN, step=NB)
        def _(j):
            for p in range(NP):
                @pl.when(j > 0)
                def _(p=p):
                    pltpu.make_async_copy(
                        slot(GRP * p, GRP), oslice(j - NB + GRP * p, GRP),
                        osems[p]).wait()
                for b in range(GRP * p, GRP * p + GRP):
                    gather(j + b, b)
            for p in range(NP):
                for b in range(GRP * p, GRP * p + GRP):
                    pltpu.make_async_copy(
                        table_hbm.at[idx_v.at[pl.ds((j + b) * CHUNK, CHUNK)]],
                        slot(b), gsems[b]).wait()
                pltpu.async_copy(
                    slot(GRP * p, GRP), oslice(j + GRP * p, GRP), osems[p])

        pltpu.make_async_copy(
            slot(0, GRP), oslice(NMAIN - NB, GRP), osems[0]).wait()
        gather(NMAIN, 0)
        gather(NMAIN + 1, 1)
        for b in range(2):
            pltpu.make_async_copy(
                table_hbm.at[idx_v.at[pl.ds((NMAIN + b) * CHUNK, CHUNK)]],
                slot(b), gsems[b]).wait()
        pltpu.async_copy(slot(0, 2), oslice(NMAIN, 2), osems[0])
        pltpu.make_async_copy(slot(0, 2), oslice(NMAIN, 2), osems[0]).wait()
        for p in range(1, NP):
            pltpu.make_async_copy(
                slot(GRP * p, GRP), oslice(NMAIN - NB + GRP * p, GRP), osems[p]
            ).wait()

    return k(weight, idx)


def kernel(token_ids, weight):
    idx = token_ids.astype(jnp.int32).reshape(NW, PER_W)
    out = _sc_gather(idx, weight.astype(jnp.float32))
    return out.reshape(token_ids.shape + (DIM,))

# --- scband reference (transcript-rebuilt; emitter-appended) ---
"""Pipeline reference for scband-embedding-57200374448234 (READ-ONLY COPY).

The authoritative reference and input builder live on the scoring server;
editing this copy changes nothing except your own understanding.
"""

import jax, jax.numpy as jnp
import numpy as np

NUM_EMBEDDINGS = 100000
EMBEDDING_DIM = 128
BATCH = 1024
SEQ = 200

def _trunc_normal(key, shape, mean=0.0, std=1.0, a=-3.0, b=3.0):
    # truncated normal in [a, b] with given mean/std (matches nn.init.trunc_normal_ semantics)
    u = jax.random.truncated_normal(key, a, b, shape, dtype=jnp.float32)
    return u * std + mean

def setup_inputs(seed: int = 0) -> dict:
    key = jax.random.key(seed)
    k_idx, k_w = jax.random.split(key)
    token_ids = jax.random.randint(k_idx, (BATCH, SEQ), 0, NUM_EMBEDDINGS, dtype=jnp.int64)
    weight = _trunc_normal(k_w, (NUM_EMBEDDINGS, EMBEDDING_DIM))
    return {"token_ids": token_ids, "weight": weight}

def reference(token_ids, weight):
    # einx.get_at('[x] d, b s -> b s d', weight, token_ids) == gather rows of weight
    return jnp.take(weight, token_ids, axis=0)

if __name__ == "__main__":
    import jax
    _d = setup_inputs()
    print(jax.jit(kernel)(*tuple(_d.values())))

</pallas_src>

<mosaic_0001>
#map = affine_map<(d0, d1) -> (0, 0)>
module attributes {stable_mosaic.version = 14 : i64} {
  func.func @k(%arg0: i32, %arg1: i32, %arg2: memref<100000x128xf32, #tpu.memory_space<hbm>>, %arg3: memref<32x6400xi32, #tpu.memory_space<hbm>>, %arg4: memref<204800x128xf32, #tpu.memory_space<hbm>>, %arg5: memref<6400xi32, #tpu.memory_space<vmem>>, %arg6: memref<768x128xf32, #tpu.memory_space<vmem>>, %arg7: memref<!tpu.dma_semaphore, #tpu.memory_space<semaphore_mem>>, %arg8: memref<!tpu.dma_semaphore, #tpu.memory_space<semaphore_mem>>, %arg9: memref<!tpu.dma_semaphore, #tpu.memory_space<semaphore_mem>>, %arg10: memref<!tpu.dma_semaphore, #tpu.memory_space<semaphore_mem>>, %arg11: memref<!tpu.dma_semaphore, #tpu.memory_space<semaphore_mem>>, %arg12: memref<!tpu.dma_semaphore, #tpu.memory_space<semaphore_mem>>, %arg13: memref<!tpu.dma_semaphore, #tpu.memory_space<semaphore_mem>>, %arg14: memref<!tpu.dma_semaphore, #tpu.memory_space<semaphore_mem>>, %arg15: memref<!tpu.dma_semaphore, #tpu.memory_space<semaphore_mem>>) attributes {dimension_semantics = [#tpu.dimension_semantics<core_parallel>, #tpu.dimension_semantics<subcore_parallel>], iteration_bounds = array<i64: 2, 16>, scalar_prefetch = 0 : i64, scratch_operands = 11 : i64, tpu.core_type = #tpu.core_type<sc_vector_subcore>, window_params = [{transform_indices = #map}, {transform_indices = #map}, {transform_indices = #map}]} {
    %mul3A = arith.constant 2 : i32
    %mul3A_0 = arith.muli %arg1, %mul3A : i32
    %add3A = arith.addi %mul3A_0, %arg0 : i32
    %mul3A_1 = arith.constant 6400 : i32
    %mul3A_2 = arith.muli %add3A, %mul3A_1 : i32
    "tpu.region"() ({
      %run_scoped3A = tpu.sem_alloc : memref<!tpu.dma_semaphore, #tpu.memory_space<semaphore_mem>>
      %dma_start3A_97 = arith.constant 0 : i32
      %dma_start3A_98 = tpu.memref_slice %arg3[%add3A, %dma_start3A_97] : memref<32x6400xi32, #tpu.memory_space<hbm>> -> memref<1x6400xi32, #tpu.memory_space<hbm>>
      %dma_start3A_99 = tpu.memref_squeeze %dma_start3A_98 : memref<1x6400xi32, #tpu.memory_space<hbm>> -> memref<6400xi32, #tpu.memory_space<hbm>>
      %dma_start3A_100 = arith.constant 0 : i32
      %dma_start3A_101 = tpu.memref_slice %arg3[%add3A, %dma_start3A_100] : memref<32x6400xi32, #tpu.memory_space<hbm>> -> memref<1x6400xi32, #tpu.memory_space<hbm>>
      %dma_start3A_102 = tpu.memref_squeeze %dma_start3A_101 : memref<1x6400xi32, #tpu.memory_space<hbm>> -> memref<6400xi32, #tpu.memory_space<hbm>>
      tpu.enqueue_dma source(%dma_start3A_102 : memref<6400xi32, #tpu.memory_space<hbm>>) target(%arg5 : memref<6400xi32, #tpu.memory_space<vmem>>) target_semaphore(%run_scoped3A : memref<!tpu.dma_semaphore, #tpu.memory_space<semaphore_mem>>)
      %dma_wait3A_103 = arith.constant 0 : i32
      %dma_wait3A_104 = tpu.memref_slice %arg3[%add3A, %dma_wait3A_103] : memref<32x6400xi32, #tpu.memory_space<hbm>> -> memref<1x6400xi32, #tpu.memory_space<hbm>>
      %dma_wait3A_105 = tpu.memref_squeeze %dma_wait3A_104 : memref<1x6400xi32, #tpu.memory_space<hbm>> -> memref<6400xi32, #tpu.memory_space<hbm>>
      %dma_wait3A_106 = arith.constant 0 : i32
      %dma_wait3A_107 = tpu.memref_slice %arg3[%add3A, %dma_wait3A_106] : memref<32x6400xi32, #tpu.memory_space<hbm>> -> memref<1x6400xi32, #tpu.memory_space<hbm>>
      %dma_wait3A_108 = tpu.memref_squeeze %dma_wait3A_107 : memref<1x6400xi32, #tpu.memory_space<hbm>> -> memref<6400xi32, #tpu.memory_space<hbm>>
      tpu.wait_dma2 semaphore(%run_scoped3A : memref<!tpu.dma_semaphore, #tpu.memory_space<semaphore_mem>>) src(%dma_wait3A_108 : memref<6400xi32, #tpu.memory_space<hbm>>) dst(%arg5 : memref<6400xi32, #tpu.memory_space<vmem>>)
      tpu.yield
    }) : () -> ()
    %scan3A = arith.constant 0 : i32
    %scan3A_3 = arith.constant 8 : i32
    %scan3A_4 = arith.addi %scan3A, %scan3A_3 : i32
    %scan3A_5 = arith.constant 1 : i32
    scf.for %scan3A_97 = %scan3A to %scan3A_4 step %scan3A_5  : i32 {
      %mul3A_98 = arith.constant 6 : i32
      %mul3A_99 = arith.muli %scan3A_97, %mul3A_98 : i32
      %add3A_100 = arith.constant 0 : i32
      %add3A_101 = arith.addi %add3A_100, %mul3A_99 : i32
      %gt3A = arith.constant 0 : i32
      %gt3A_102 = arith.cmpi sgt, %add3A_101, %gt3A : i32
      %convert_element_type3A = arith.extui %gt3A_102 : i1 to i32
      %cond3A = arith.constant 0 : i32
      %cond3A_103 = arith.cmpi ne, %convert_element_type3A, %cond3A : i32
      scf.if %cond3A_103 {
        %sub3A = arith.constant 6 : i32
        %sub3A_291 = arith.subi %add3A_101, %sub3A : i32
        %add3A_292 = arith.constant 0 : i32
        %add3A_293 = arith.addi %sub3A_291, %add3A_292 : i32
        %mul3A_294 = arith.constant 128 : i32
        %mul3A_295 = arith.muli %add3A_293, %mul3A_294 : i32
        %add3A_296 = arith.addi %mul3A_2, %mul3A_295 : i32
        %dma_wait3A_297 = arith.constant 0 : i32
        %dma_wait3A_298 = arith.constant 0 : i32
        %dma_wait3A_299 = tpu.memref_slice %arg6[%dma_wait3A_297, %dma_wait3A_298] : memref<768x128xf32, #tpu.memory_space<vmem>> -> memref<256x128xf32, #tpu.memory_space<vmem>>
        %dma_wait3A_300 = arith.constant 0 : i32
        %dma_wait3A_301 = tpu.memref_slice %arg4[%add3A_296, %dma_wait3A_300] : memref<204800x128xf32, #tpu.memory_space<hbm>> -> memref<256x128xf32, #tpu.memory_space<hbm>>
        %dma_wait3A_302 = arith.constant 0 : i32
        %dma_wait3A_303 = tpu.memref_slice %arg4[%add3A_296, %dma_wait3A_302] : memref<204800x128xf32, #tpu.memory_space<hbm>> -> memref<256x128xf32, #tpu.memory_space<hbm>>
        %dma_wait3A_304 = arith.constant 0 : i32
        %dma_wait3A_305 = arith.constant 0 : i32
        %dma_wait3A_306 = tpu.memref_slice %arg6[%dma_wait3A_304, %dma_wait3A_305] : memref<768x128xf32, #tpu.memory_space<vmem>> -> memref<256x128xf32, #tpu.memory_space<vmem>>
        tpu.wait_dma2 semaphore(%arg13 : memref<!tpu.dma_semaphore, #tpu.memory_space<semaphore_mem>>) src(%dma_wait3A_306 : memref<256x128xf32, #tpu.memory_space<vmem>>) dst(%dma_wait3A_303 : memref<256x128xf32, #tpu.memory_space<hbm>>)
      } else {
      }
      %add3A_104 = arith.constant 0 : i32
      %add3A_105 = arith.addi %add3A_101, %add3A_104 : i32
      %mul3A_106 = arith.constant 128 : i32
      %mul3A_107 = arith.muli %add3A_105, %mul3A_106 : i32
      %dma_start3A_108 = arith.constant 0 : i32
      %dma_start3A_109 = arith.constant 0 : i32
      %dma_start3A_110 = tpu.memref_slice %arg6[%dma_start3A_108, %dma_start3A_109] : memref<768x128xf32, #tpu.memory_space<vmem>> -> memref<128x128xf32, #tpu.memory_space<vmem>>
      %dma_start3A_111 = tpu.memref_slice %arg5[%mul3A_107] : memref<6400xi32, #tpu.memory_space<vmem>> -> memref<128xi32, #tpu.memory_space<vmem>>
      %dma_start3A_112 = arith.constant 0 : i32
      %dma_start3A_113 = arith.constant 0 : i32
      %dma_start3A_114 = tpu.memref_slice %arg2[%dma_start3A_112, %dma_start3A_113] : memref<100000x128xf32, #tpu.memory_space<hbm>> -> memref<100000x128xf32, #tpu.memory_space<hbm>>
      tpu.enqueue_indirect_dma source(%dma_start3A_114 : memref<100000x128xf32, #tpu.memory_space<hbm>>) target(%dma_start3A_110 : memref<128x128xf32, #tpu.memory_space<vmem>>) offsets(%dma_start3A_111 : memref<128xi32, #tpu.memory_space<vmem>>) semaphore(%arg7 : memref<!tpu.dma_semaphore, #tpu.memory_space<semaphore_mem>>)
      %add3A_115 = arith.constant 1 : i32
      %add3A_116 = arith.addi %add3A_101, %add3A_115 : i32
      %mul3A_117 = arith.constant 128 : i32
      %mul3A_118 = arith.muli %add3A_116, %mul3A_117 : i32
      %dma_start3A_119 = arith.constant 128 : i32
      %dma_start3A_120 = arith.constant 0 : i32
      %dma_start3A_121 = tpu.memref_slice %arg6[%dma_start3A_119, %dma_start3A_120] : memref<768x128xf32, #tpu.memory_space<vmem>> -> memref<128x128xf32, #tpu.memory_space<vmem>>
      %dma_start3A_122 = tpu.memref_slice %arg5[%mul3A_118] : memref<6400xi32, #tpu.memory_space<vmem>> -> memref<128xi32, #tpu.memory_space<vmem>>
      %dma_start3A_123 = arith.constant 0 : i32
      %dma_start3A_124 = arith.constant 0 : i32
      %dma_start3A_125 = tpu.memref_slice %arg2[%dma_start3A_123, %dma_start3A_124] : memref<100000x128xf32, #tpu.memory_space<hbm>> -> memref<100000x128xf32, #tpu.memory_space<hbm>>
      tpu.enqueue_indirect_dma source(%dma_start3A_125 : memref<100000x128xf32, #tpu.memory_space<hbm>>) target(%dma_start3A_121 : memref<128x128xf32, #tpu.memory_space<vmem>>) offsets(%dma_start3A_122 : memref<128xi32, #tpu.memory_space<vmem>>) semaphore(%arg8 : memref<!tpu.dma_semaphore, #tpu.memory_space<semaphore_mem>>)
      %gt3A_126 = arith.constant 0 : i32
      %gt3A_127 = arith.cmpi sgt, %add3A_101, %gt3A_126 : i32
      %convert_element_type3A_128 = arith.extui %gt3A_127 : i1 to i32
      %cond3A_129 = arith.constant 0 : i32
      %cond3A_130 = arith.cmpi ne, %convert_element_type3A_128, %cond3A_129 : i32
      scf.if %cond3A_130 {
        %sub3A = arith.constant 6 : i32
        %sub3A_291 = arith.subi %add3A_101, %sub3A : i32
        %add3A_292 = arith.constant 2 : i32
        %add3A_293 = arith.addi %sub3A_291, %add3A_292 : i32
        %mul3A_294 = arith.constant 128 : i32
        %mul3A_295 = arith.muli %add3A_293, %mul3A_294 : i32
        %add3A_296 = arith.addi %mul3A_2, %mul3A_295 : i32
        %dma_wait3A_297 = arith.constant 256 : i32
        %dma_wait3A_298 = arith.constant 0 : i32
        %dma_wait3A_299 = tpu.memref_slice %arg6[%dma_wait3A_297, %dma_wait3A_298] : memref<768x128xf32, #tpu.memory_space<vmem>> -> memref<256x128xf32, #tpu.memory_space<vmem>>
        %dma_wait3A_300 = arith.constant 0 : i32
        %dma_wait3A_301 = tpu.memref_slice %arg4[%add3A_296, %dma_wait3A_300] : memref<204800x128xf32, #tpu.memory_space<hbm>> -> memref<256x128xf32, #tpu.memory_space<hbm>>
        %dma_wait3A_302 = arith.constant 0 : i32
        %dma_wait3A_303 = tpu.memref_slice %arg4[%add3A_296, %dma_wait3A_302] : memref<204800x128xf32, #tpu.memory_space<hbm>> -> memref<256x128xf32, #tpu.memory_space<hbm>>
        %dma_wait3A_304 = arith.constant 256 : i32
        %dma_wait3A_305 = arith.constant 0 : i32
        %dma_wait3A_306 = tpu.memref_slice %arg6[%dma_wait3A_304, %dma_wait3A_305] : memref<768x128xf32, #tpu.memory_space<vmem>> -> memref<256x128xf32, #tpu.memory_space<vmem>>
        tpu.wait_dma2 semaphore(%arg14 : memref<!tpu.dma_semaphore, #tpu.memory_space<semaphore_mem>>) src(%dma_wait3A_306 : memref<256x128xf32, #tpu.memory_space<vmem>>) dst(%dma_wait3A_303 : memref<256x128xf32, #tpu.memory_space<hbm>>)
      } else {
      }
      %add3A_131 = arith.constant 2 : i32
      %add3A_132 = arith.addi %add3A_101, %add3A_131 : i32
      %mul3A_133 = arith.constant 128 : i32
      %mul3A_134 = arith.muli %add3A_132, %mul3A_133 : i32
      %dma_start3A_135 = arith.constant 256 : i32
      %dma_start3A_136 = arith.constant 0 : i32
      %dma_start3A_137 = tpu.memref_slice %arg6[%dma_start3A_135, %dma_start3A_136] : memref<768x128xf32, #tpu.memory_space<vmem>> -> memref<128x128xf32, #tpu.memory_space<vmem>>
      %dma_start3A_138 = tpu.memref_slice %arg5[%mul3A_134] : memref<6400xi32, #tpu.memory_space<vmem>> -> memref<128xi32, #tpu.memory_space<vmem>>
      %dma_start3A_139 = arith.constant 0 : i32
      %dma_start3A_140 = arith.constant 0 : i32
      %dma_start3A_141 = tpu.memref_slice %arg2[%dma_start3A_139, %dma_start3A_140] : memref<100000x128xf32, #tpu.memory_space<hbm>> -> memref<100000x128xf32, #tpu.memory_space<hbm>>
      tpu.enqueue_indirect_dma source(%dma_start3A_141 : memref<100000x128xf32, #tpu.memory_space<hbm>>) target(%dma_start3A_137 : memref<128x128xf32, #tpu.memory_space<vmem>>) offsets(%dma_start3A_138 : memref<128xi32, #tpu.memory_space<vmem>>) semaphore(%arg9 : memref<!tpu.dma_semaphore, #tpu.memory_space<semaphore_mem>>)
      %add3A_142 = arith.constant 3 : i32
      %add3A_143 = arith.addi %add3A_101, %add3A_142 : i32
      %mul3A_144 = arith.constant 128 : i32
      %mul3A_145 = arith.muli %add3A_143, %mul3A_144 : i32
      %dma_start3A_146 = arith.constant 384 : i32
      %dma_start3A_147 = arith.constant 0 : i32
      %dma_start3A_148 = tpu.memref_slice %arg6[%dma_start3A_146, %dma_start3A_147] : memref<768x128xf32, #tpu.memory_space<vmem>> -> memref<128x128xf32, #tpu.memory_space<vmem>>
      %dma_start3A_149 = tpu.memref_slice %arg5[%mul3A_145] : memref<6400xi32, #tpu.memory_space<vmem>> -> memref<128xi32, #tpu.memory_space<vmem>>
      %dma_start3A_150 = arith.constant 0 : i32
      %dma_start3A_151 = arith.constant 0 : i32
      %dma_start3A_152 = tpu.memref_slice %arg2[%dma_start3A_150, %dma_start3A_151] : memref<100000x128xf32, #tpu.memory_space<hbm>> -> memref<100000x128xf32, #tpu.memory_space<hbm>>
      tpu.enqueue_indirect_dma source(%dma_start3A_152 : memref<100000x128xf32, #tpu.memory_space<hbm>>) target(%dma_start3A_148 : memref<128x128xf32, #tpu.memory_space<vmem>>) offsets(%dma_start3A_149 : memref<128xi32, #tpu.memory_space<vmem>>) semaphore(%arg10 : memref<!tpu.dma_semaphore, #tpu.memory_space<semaphore_mem>>)
      %gt3A_153 = arith.constant 0 : i32
      %gt3A_154 = arith.cmpi sgt, %add3A_101, %gt3A_153 : i32
      %convert_element_type3A_155 = arith.extui %gt3A_154 : i1 to i32
      %cond3A_156 = arith.constant 0 : i32
      %cond3A_157 = arith.cmpi ne, %convert_element_type3A_155, %cond3A_156 : i32
      scf.if %cond3A_157 {
        %sub3A = arith.constant 6 : i32
        %sub3A_291 = arith.subi %add3A_101, %sub3A : i32
        %add3A_292 = arith.constant 4 : i32
        %add3A_293 = arith.addi %sub3A_291, %add3A_292 : i32
        %mul3A_294 = arith.constant 128 : i32
        %mul3A_295 = arith.muli %add3A_293, %mul3A_294 : i32
        %add3A_296 = arith.addi %mul3A_2, %mul3A_295 : i32
        %dma_wait3A_297 = arith.constant 512 : i32
        %dma_wait3A_298 = arith.constant 0 : i32
        %dma_wait3A_299 = tpu.memref_slice %arg6[%dma_wait3A_297, %dma_wait3A_298] : memref<768x128xf32, #tpu.memory_space<vmem>> -> memref<256x128xf32, #tpu.memory_space<vmem>>
        %dma_wait3A_300 = arith.constant 0 : i32
        %dma_wait3A_301 = tpu.memref_slice %arg4[%add3A_296, %dma_wait3A_300] : memref<204800x128xf32, #tpu.memory_space<hbm>> -> memref<256x128xf32, #tpu.memory_space<hbm>>
        %dma_wait3A_302 = arith.constant 0 : i32
        %dma_wait3A_303 = tpu.memref_slice %arg4[%add3A_296, %dma_wait3A_302] : memref<204800x128xf32, #tpu.memory_space<hbm>> -> memref<256x128xf32, #tpu.memory_space<hbm>>
        %dma_wait3A_304 = arith.constant 512 : i32
        %dma_wait3A_305 = arith.constant 0 : i32
        %dma_wait3A_306 = tpu.memref_slice %arg6[%dma_wait3A_304, %dma_wait3A_305] : memref<768x128xf32, #tpu.memory_space<vmem>> -> memref<256x128xf32, #tpu.memory_space<vmem>>
        tpu.wait_dma2 semaphore(%arg15 : memref<!tpu.dma_semaphore, #tpu.memory_space<semaphore_mem>>) src(%dma_wait3A_306 : memref<256x128xf32, #tpu.memory_space<vmem>>) dst(%dma_wait3A_303 : memref<256x128xf32, #tpu.memory_space<hbm>>)
      } else {
      }
      %add3A_158 = arith.constant 4 : i32
      %add3A_159 = arith.addi %add3A_101, %add3A_158 : i32
      %mul3A_160 = arith.constant 128 : i32
      %mul3A_161 = arith.muli %add3A_159, %mul3A_160 : i32
      %dma_start3A_162 = arith.constant 512 : i32
      %dma_start3A_163 = arith.constant 0 : i32
      %dma_start3A_164 = tpu.memref_slice %arg6[%dma_start3A_162, %dma_start3A_163] : memref<768x128xf32, #tpu.memory_space<vmem>> -> memref<128x128xf32, #tpu.memory_space<vmem>>
      %dma_start3A_165 = tpu.memref_slice %arg5[%mul3A_161] : memref<6400xi32, #tpu.memory_space<vmem>> -> memref<128xi32, #tpu.memory_space<vmem>>
      %dma_start3A_166 = arith.constant 0 : i32
      %dma_start3A_167 = arith.constant 0 : i32
      %dma_start3A_168 = tpu.memref_slice %arg2[%dma_start3A_166, %dma_start3A_167] : memref<100000x128xf32, #tpu.memory_space<hbm>> -> memref<100000x128xf32, #tpu.memory_space<hbm>>
      tpu.enqueue_indirect_dma source(%dma_start3A_168 : memref<100000x128xf32, #tpu.memory_space<hbm>>) target(%dma_start3A_164 : memref<128x128xf32, #tpu.memory_space<vmem>>) offsets(%dma_start3A_165 : memref<128xi32, #tpu.memory_space<vmem>>) semaphore(%arg11 : memref<!tpu.dma_semaphore, #tpu.memory_space<semaphore_mem>>)
      %add3A_169 = arith.constant 5 : i32
      %add3A_170 = arith.addi %add3A_101, %add3A_169 : i32
      %mul3A_171 = arith.constant 128 : i32
      %mul3A_172 = arith.muli %add3A_170, %mul3A_171 : i32
      %dma_start3A_173 = arith.constant 640 : i32
      %dma_start3A_174 = arith.constant 0 : i32
      %dma_start3A_175 = tpu.memref_slice %arg6[%dma_start3A_173, %dma_start3A_174] : memref<768x128xf32, #tpu.memory_space<vmem>> -> memref<128x128xf32, #tpu.memory_space<vmem>>
      %dma_start3A_176 = tpu.memref_slice %arg5[%mul3A_172] : memref<6400xi32, #tpu.memory_space<vmem>> -> memref<128xi32, #tpu.memory_space<vmem>>
      %dma_start3A_177 = arith.constant 0 : i32
      %dma_start3A_178 = arith.constant 0 : i32
      %dma_start3A_179 = tpu.memref_slice %arg2[%dma_start3A_177, %dma_start3A_178] : memref<100000x128xf32, #tpu.memory_space<hbm>> -> memref<100000x128xf32, #tpu.memory_space<hbm>>
      tpu.enqueue_indirect_dma source(%dma_start3A_179 : memref<100000x128xf32, #tpu.memory_space<hbm>>) target(%dma_start3A_175 : memref<128x128xf32, #tpu.memory_space<vmem>>) offsets(%dma_start3A_176 : memref<128xi32, #tpu.memory_space<vmem>>) semaphore(%arg12 : memref<!tpu.dma_semaphore, #tpu.memory_space<semaphore_mem>>)
      %add3A_180 = arith.constant 0 : i32
      %add3A_181 = arith.addi %add3A_101, %add3A_180 : i32
      %mul3A_182 = arith.constant 128 : i32
      %mul3A_183 = arith.muli %add3A_181, %mul3A_182 : i32
      %dma_wait3A_184 = arith.constant 0 : i32
      %dma_wait3A_185 = arith.constant 0 : i32
      %dma_wait3A_186 = tpu.memref_slice %arg6[%dma_wait3A_184, %dma_wait3A_185] : memref<768x128xf32, #tpu.memory_space<vmem>> -> memref<128x128xf32, #tpu.memory_space<vmem>>
      %dma_wait3A_187 = tpu.memref_slice %arg5[%mul3A_183] : memref<6400xi32, #tpu.memory_space<vmem>> -> memref<128xi32, #tpu.memory_space<vmem>>
      %dma_wait3A_188 = arith.constant 0 : i32
      %dma_wait3A_189 = arith.constant 0 : i32
      %dma_wait3A_190 = tpu.memref_slice %arg2[%dma_wait3A_188, %dma_wait3A_189] : memref<100000x128xf32, #tpu.memory_space<hbm>> -> memref<100000x128xf32, #tpu.memory_space<hbm>>
      tpu.wait_indirect_dma semaphore(%arg7 : memref<!tpu.dma_semaphore, #tpu.memory_space<semaphore_mem>>) src(%dma_wait3A_190 : memref<100000x128xf32, #tpu.memory_space<hbm>>) dst(%dma_wait3A_186 : memref<128x128xf32, #tpu.memory_space<vmem>>)
      %add3A_191 = arith.constant 1 : i32
      %add3A_192 = arith.addi %add3A_101, %add3A_191 : i32
      %mul3A_193 = arith.constant 128 : i32
      %mul3A_194 = arith.muli %add3A_192, %mul3A_193 : i32
      %dma_wait3A_195 = arith.constant 128 : i32
      %dma_wait3A_196 = arith.constant 0 : i32
      %dma_wait3A_197 = tpu.memref_slice %arg6[%dma_wait3A_195, %dma_wait3A_196] : memref<768x128xf32, #tpu.memory_space<vmem>> -> memref<128x128xf32, #tpu.memory_space<vmem>>
      %dma_wait3A_198 = tpu.memref_slice %arg5[%mul3A_194] : memref<6400xi32, #tpu.memory_space<vmem>> -> memref<128xi32, #tpu.memory_space<vmem>>
      %dma_wait3A_199 = arith.constant 0 : i32
      %dma_wait3A_200 = arith.constant 0 : i32
      %dma_wait3A_201 = tpu.memref_slice %arg2[%dma_wait3A_199, %dma_wait3A_200] : memref<100000x128xf32, #tpu.memory_space<hbm>> -> memref<100000x128xf32, #tpu.memory_space<hbm>>
      tpu.wait_indirect_dma semaphore(%arg8 : memref<!tpu.dma_semaphore, #tpu.memory_space<semaphore_mem>>) src(%dma_wait3A_201 : memref<100000x128xf32, #tpu.memory_space<hbm>>) dst(%dma_wait3A_197 : memref<128x128xf32, #tpu.memory_space<vmem>>)
      %add3A_202 = arith.constant 0 : i32
      %add3A_203 = arith.addi %add3A_101, %add3A_202 : i32
      %mul3A_204 = arith.constant 128 : i32
      %mul3A_205 = arith.muli %add3A_203, %mul3A_204 : i32
      %add3A_206 = arith.addi %mul3A_2, %mul3A_205 : i32
      %dma_start3A_207 = arith.constant 0 : i32
      %dma_start3A_208 = arith.constant 0 : i32
      %dma_start3A_209 = tpu.memref_slice %arg6[%dma_start3A_207, %dma_start3A_208] : memref<768x128xf32, #tpu.memory_space<vmem>> -> memref<256x128xf32, #tpu.memory_space<vmem>>
      %dma_start3A_210 = arith.constant 0 : i32
      %dma_start3A_211 = tpu.memref_slice %arg4[%add3A_206, %dma_start3A_210] : memref<204800x128xf32, #tpu.memory_space<hbm>> -> memref<256x128xf32, #tpu.memory_space<hbm>>
      %dma_start3A_212 = arith.constant 0 : i32
      %dma_start3A_213 = tpu.memref_slice %arg4[%add3A_206, %dma_start3A_212] : memref<204800x128xf32, #tpu.memory_space<hbm>> -> memref<256x128xf32, #tpu.memory_space<hbm>>
      %dma_start3A_214 = arith.constant 0 : i32
      %dma_start3A_215 = arith.constant 0 : i32
      %dma_start3A_216 = tpu.memref_slice %arg6[%dma_start3A_214, %dma_start3A_215] : memref<768x128xf32, #tpu.memory_space<vmem>> -> memref<256x128xf32, #tpu.memory_space<vmem>>
      tpu.enqueue_dma source(%dma_start3A_216 : memref<256x128xf32, #tpu.memory_space<vmem>>) target(%dma_start3A_213 : memref<256x128xf32, #tpu.memory_space<hbm>>) target_semaphore(%arg13 : memref<!tpu.dma_semaphore, #tpu.memory_space<semaphore_mem>>)
      %add3A_217 = arith.constant 2 : i32
      %add3A_218 = arith.addi %add3A_101, %add3A_217 : i32
      %mul3A_219 = arith.constant 128 : i32
      %mul3A_220 = arith.muli %add3A_218, %mul3A_219 : i32
      %dma_wait3A_221 = arith.constant 256 : i32
      %dma_wait3A_222 = arith.constant 0 : i32
      %dma_wait3A_223 = tpu.memref_slice %arg6[%dma_wait3A_221, %dma_wait3A_222] : memref<768x128xf32, #tpu.memory_space<vmem>> -> memref<128x128xf32, #tpu.memory_space<vmem>>
      %dma_wait3A_224 = tpu.memref_slice %arg5[%mul3A_220] : memref<6400xi32, #tpu.memory_space<vmem>> -> memref<128xi32, #tpu.memory_space<vmem>>
      %dma_wait3A_225 = arith.constant 0 : i32
      %dma_wait3A_226 = arith.constant 0 : i32
      %dma_wait3A_227 = tpu.memref_slice %arg2[%dma_wait3A_225, %dma_wait3A_226] : memref<100000x128xf32, #tpu.memory_space<hbm>> -> memref<100000x128xf32, #tpu.memory_space<hbm>>
      tpu.wait_indirect_dma semaphore(%arg9 : memref<!tpu.dma_semaphore, #tpu.memory_space<semaphore_mem>>) src(%dma_wait3A_227 : memref<100000x128xf32, #tpu.memory_space<hbm>>) dst(%dma_wait3A_223 : memref<128x128xf32, #tpu.memory_space<vmem>>)
      %add3A_228 = arith.constant 3 : i32
      %add3A_229 = arith.addi %add3A_101, %add3A_228 : i32
      %mul3A_230 = arith.constant 128 : i32
      %mul3A_231 = arith.muli %add3A_229, %mul3A_230 : i32
      %dma_wait3A_232 = arith.constant 384 : i32
      %dma_wait3A_233 = arith.constant 0 : i32
      %dma_wait3A_234 = tpu.memref_slice %arg6[%dma_wait3A_232, %dma_wait3A_233] : memref<768x128xf32, #tpu.memory_space<vmem>> -> memref<128x128xf32, #tpu.memory_space<vmem>>
      %dma_wait3A_235 = tpu.memref_slice %arg5[%mul3A_231] : memref<6400xi32, #tpu.memory_space<vmem>> -> memref<128xi32, #tpu.memory_space<vmem>>
      %dma_wait3A_236 = arith.constant 0 : i32
      %dma_wait3A_237 = arith.constant 0 : i32
      %dma_wait3A_238 = tpu.memref_slice %arg2[%dma_wait3A_236, %dma_wait3A_237] : memref<100000x128xf32, #tpu.memory_space<hbm>> -> memref<100000x128xf32, #tpu.memory_space<hbm>>
      tpu.wait_indirect_dma semaphore(%arg10 : memref<!tpu.dma_semaphore, #tpu.memory_space<semaphore_mem>>) src(%dma_wait3A_238 : memref<100000x128xf32, #tpu.memory_space<hbm>>) dst(%dma_wait3A_234 : memref<128x128xf32, #tpu.memory_space<vmem>>)
      %add3A_239 = arith.constant 2 : i32
      %add3A_240 = arith.addi %add3A_101, %add3A_239 : i32
      %mul3A_241 = arith.constant 128 : i32
      %mul3A_242 = arith.muli %add3A_240, %mul3A_241 : i32
      %add3A_243 = arith.addi %mul3A_2, %mul3A_242 : i32
      %dma_start3A_244 = arith.constant 256 : i32
      %dma_start3A_245 = arith.constant 0 : i32
      %dma_start3A_246 = tpu.memref_slice %arg6[%dma_start3A_244, %dma_start3A_245] : memref<768x128xf32, #tpu.memory_space<vmem>> -> memref<256x128xf32, #tpu.memory_space<vmem>>
      %dma_start3A_247 = arith.constant 0 : i32
      %dma_start3A_248 = tpu.memref_slice %arg4[%add3A_243, %dma_start3A_247] : memref<204800x128xf32, #tpu.memory_space<hbm>> -> memref<256x128xf32, #tpu.memory_space<hbm>>
      %dma_start3A_249 = arith.constant 0 : i32
      %dma_start3A_250 = tpu.memref_slice %arg4[%add3A_243, %dma_start3A_249] : memref<204800x128xf32, #tpu.memory_space<hbm>> -> memref<256x128xf32, #tpu.memory_space<hbm>>
      %dma_start3A_251 = arith.constant 256 : i32
      %dma_start3A_252 = arith.constant 0 : i32
      %dma_start3A_253 = tpu.memref_slice %arg6[%dma_start3A_251, %dma_start3A_252] : memref<768x128xf32, #tpu.memory_space<vmem>> -> memref<256x128xf32, #tpu.memory_space<vmem>>
      tpu.enqueue_dma source(%dma_start3A_253 : memref<256x128xf32, #tpu.memory_space<vmem>>) target(%dma_start3A_250 : memref<256x128xf32, #tpu.memory_space<hbm>>) target_semaphore(%arg14 : memref<!tpu.dma_semaphore, #tpu.memory_space<semaphore_mem>>)
      %add3A_254 = arith.constant 4 : i32
      %add3A_255 = arith.addi %add3A_101, %add3A_254 : i32
      %mul3A_256 = arith.constant 128 : i32
      %mul3A_257 = arith.muli %add3A_255, %mul3A_256 : i32
      %dma_wait3A_258 = arith.constant 512 : i32
      %dma_wait3A_259 = arith.constant 0 : i32
      %dma_wait3A_260 = tpu.memref_slice %arg6[%dma_wait3A_258, %dma_wait3A_259] : memref<768x128xf32, #tpu.memory_space<vmem>> -> memref<128x128xf32, #tpu.memory_space<vmem>>
      %dma_wait3A_261 = tpu.memref_slice %arg5[%mul3A_257] : memref<6400xi32, #tpu.memory_space<vmem>> -> memref<128xi32, #tpu.memory_space<vmem>>
      %dma_wait3A_262 = arith.constant 0 : i32
      %dma_wait3A_263 = arith.constant 0 : i32
      %dma_wait3A_264 = tpu.memref_slice %arg2[%dma_wait3A_262, %dma_wait3A_263] : memref<100000x128xf32, #tpu.memory_space<hbm>> -> memref<100000x128xf32, #tpu.memory_space<hbm>>
      tpu.wait_indirect_dma semaphore(%arg11 : memref<!tpu.dma_semaphore, #tpu.memory_space<semaphore_mem>>) src(%dma_wait3A_264 : memref<100000x128xf32, #tpu.memory_space<hbm>>) dst(%dma_wait3A_260 : memref<128x128xf32, #tpu.memory_space<vmem>>)
      %add3A_265 = arith.constant 5 : i32
      %add3A_266 = arith.addi %add3A_101, %add3A_265 : i32
      %mul3A_267 = arith.constant 128 : i32
      %mul3A_268 = arith.muli %add3A_266, %mul3A_267 : i32
      %dma_wait3A_269 = arith.constant 640 : i32
      %dma_wait3A_270 = arith.constant 0 : i32
      %dma_wait3A_271 = tpu.memref_slice %arg6[%dma_wait3A_269, %dma_wait3A_270] : memref<768x128xf32, #tpu.memory_space<vmem>> -> memref<128x128xf32, #tpu.memory_space<vmem>>
      %dma_wait3A_272 = tpu.memref_slice %arg5[%mul3A_268] : memref<6400xi32, #tpu.memory_space<vmem>> -> memref<128xi32, #tpu.memory_space<vmem>>
      %dma_wait3A_273 = arith.constant 0 : i32
      %dma_wait3A_274 = arith.constant 0 : i32
      %dma_wait3A_275 = tpu.memref_slice %arg2[%dma_wait3A_273, %dma_wait3A_274] : memref<100000x128xf32, #tpu.memory_space<hbm>> -> memref<100000x128xf32, #tpu.memory_space<hbm>>
      tpu.wait_indirect_dma semaphore(%arg12 : memref<!tpu.dma_semaphore, #tpu.memory_space<semaphore_mem>>) src(%dma_wait3A_275 : memref<100000x128xf32, #tpu.memory_space<hbm>>) dst(%dma_wait3A_271 : memref<128x128xf32, #tpu.memory_space<vmem>>)
      %add3A_276 = arith.constant 4 : i32
      %add3A_277 = arith.addi %add3A_101, %add3A_276 : i32
      %mul3A_278 = arith.constant 128 : i32
      %mul3A_279 = arith.muli %add3A_277, %mul3A_278 : i32
      %add3A_280 = arith.addi %mul3A_2, %mul3A_279 : i32
      %dma_start3A_281 = arith.constant 512 : i32
      %dma_start3A_282 = arith.constant 0 : i32
      %dma_start3A_283 = tpu.memref_slice %arg6[%dma_start3A_281, %dma_start3A_282] : memref<768x128xf32, #tpu.memory_space<vmem>> -> memref<256x128xf32, #tpu.memory_space<vmem>>
      %dma_start3A_284 = arith.constant 0 : i32
      %dma_start3A_285 = tpu.memref_slice %arg4[%add3A_280, %dma_start3A_284] : memref<204800x128xf32, #tpu.memory_space<hbm>> -> memref<256x128xf32, #tpu.memory_space<hbm>>
      %dma_start3A_286 = arith.constant 0 : i32
      %dma_start3A_287 = tpu.memref_slice %arg4[%add3A_280, %dma_start3A_286] : memref<204800x128xf32, #tpu.memory_space<hbm>> -> memref<256x128xf32, #tpu.memory_space<hbm>>
      %dma_start3A_288 = arith.constant 512 : i32
      %dma_start3A_289 = arith.constant 0 : i32
      %dma_start3A_290 = tpu.memref_slice %arg6[%dma_start3A_288, %dma_start3A_289] : memref<768x128xf32, #tpu.memory_space<vmem>> -> memref<256x128xf32, #tpu.memory_space<vmem>>
      tpu.enqueue_dma source(%dma_start3A_290 : memref<256x128xf32, #tpu.memory_space<vmem>>) target(%dma_start3A_287 : memref<256x128xf32, #tpu.memory_space<hbm>>) target_semaphore(%arg15 : memref<!tpu.dma_semaphore, #tpu.memory_space<semaphore_mem>>)
    }
    %scan3A_6 = arith.constant 8 : i32
    %add3A_7 = arith.constant 5376 : i32
    %add3A_8 = arith.addi %mul3A_2, %add3A_7 : i32
    %dma_wait3A = arith.constant 0 : i32
    %dma_wait3A_9 = arith.constant 0 : i32
    %dma_wait3A_10 = tpu.memref_slice %arg6[%dma_wait3A, %dma_wait3A_9] : memref<768x128xf32, #tpu.memory_space<vmem>> -> memref<256x128xf32, #tpu.memory_space<vmem>>
    %dma_wait3A_11 = arith.constant 0 : i32
    %dma_wait3A_12 = tpu.memref_slice %arg4[%add3A_8, %dma_wait3A_11] : memref<204800x128xf32, #tpu.memory_space<hbm>> -> memref<256x128xf32, #tpu.memory_space<hbm>>
    %dma_wait3A_13 = arith.constant 0 : i32
    %dma_wait3A_14 = tpu.memref_slice %arg4[%add3A_8, %dma_wait3A_13] : memref<204800x128xf32, #tpu.memory_space<hbm>> -> memref<256x128xf32, #tpu.memory_space<hbm>>
    %dma_wait3A_15 = arith.constant 0 : i32
    %dma_wait3A_16 = arith.constant 0 : i32
    %dma_wait3A_17 = tpu.memref_slice %arg6[%dma_wait3A_15, %dma_wait3A_16] : memref<768x128xf32, #tpu.memory_space<vmem>> -> memref<256x128xf32, #tpu.memory_space<vmem>>
    tpu.wait_dma2 semaphore(%arg13 : memref<!tpu.dma_semaphore, #tpu.memory_space<semaphore_mem>>) src(%dma_wait3A_17 : memref<256x128xf32, #tpu.memory_space<vmem>>) dst(%dma_wait3A_14 : memref<256x128xf32, #tpu.memory_space<hbm>>)
    %dma_start3A = arith.constant 0 : i32
    %dma_start3A_18 = arith.constant 0 : i32
    %dma_start3A_19 = tpu.memref_slice %arg6[%dma_start3A, %dma_start3A_18] : memref<768x128xf32, #tpu.memory_space<vmem>> -> memref<128x128xf32, #tpu.memory_space<vmem>>
    %dma_start3A_20 = arith.constant 6144 : i32
    %dma_start3A_21 = tpu.memref_slice %arg5[%dma_start3A_20] : memref<6400xi32, #tpu.memory_space<vmem>> -> memref<128xi32, #tpu.memory_space<vmem>>
    %dma_start3A_22 = arith.constant 0 : i32
    %dma_start3A_23 = arith.constant 0 : i32
    %dma_start3A_24 = tpu.memref_slice %arg2[%dma_start3A_22, %dma_start3A_23] : memref<100000x128xf32, #tpu.memory_space<hbm>> -> memref<100000x128xf32, #tpu.memory_space<hbm>>
    tpu.enqueue_indirect_dma source(%dma_start3A_24 : memref<100000x128xf32, #tpu.memory_space<hbm>>) target(%dma_start3A_19 : memref<128x128xf32, #tpu.memory_space<vmem>>) offsets(%dma_start3A_21 : memref<128xi32, #tpu.memory_space<vmem>>) semaphore(%arg7 : memref<!tpu.dma_semaphore, #tpu.memory_space<semaphore_mem>>)
    %dma_start3A_25 = arith.constant 128 : i32
    %dma_start3A_26 = arith.constant 0 : i32
    %dma_start3A_27 = tpu.memref_slice %arg6[%dma_start3A_25, %dma_start3A_26] : memref<768x128xf32, #tpu.memory_space<vmem>> -> memref<128x128xf32, #tpu.memory_space<vmem>>
    %dma_start3A_28 = arith.constant 6272 : i32
    %dma_start3A_29 = tpu.memref_slice %arg5[%dma_start3A_28] : memref<6400xi32, #tpu.memory_space<vmem>> -> memref<128xi32, #tpu.memory_space<vmem>>
    %dma_start3A_30 = arith.constant 0 : i32
    %dma_start3A_31 = arith.constant 0 : i32
    %dma_start3A_32 = tpu.memref_slice %arg2[%dma_start3A_30, %dma_start3A_31] : memref<100000x128xf32, #tpu.memory_space<hbm>> -> memref<100000x128xf32, #tpu.memory_space<hbm>>
    tpu.enqueue_indirect_dma source(%dma_start3A_32 : memref<100000x128xf32, #tpu.memory_space<hbm>>) target(%dma_start3A_27 : memref<128x128xf32, #tpu.memory_space<vmem>>) offsets(%dma_start3A_29 : memref<128xi32, #tpu.memory_space<vmem>>) semaphore(%arg8 : memref<!tpu.dma_semaphore, #tpu.memory_space<semaphore_mem>>)
    %dma_wait3A_33 = arith.constant 0 : i32
    %dma_wait3A_34 = arith.constant 0 : i32
    %dma_wait3A_35 = tpu.memref_slice %arg6[%dma_wait3A_33, %dma_wait3A_34] : memref<768x128xf32, #tpu.memory_space<vmem>> -> memref<128x128xf32, #tpu.memory_space<vmem>>
    %dma_wait3A_36 = arith.constant 6144 : i32
    %dma_wait3A_37 = tpu.memref_slice %arg5[%dma_wait3A_36] : memref<6400xi32, #tpu.memory_space<vmem>> -> memref<128xi32, #tpu.memory_space<vmem>>
    %dma_wait3A_38 = arith.constant 0 : i32
    %dma_wait3A_39 = arith.constant 0 : i32
    %dma_wait3A_40 = tpu.memref_slice %arg2[%dma_wait3A_38, %dma_wait3A_39] : memref<100000x128xf32, #tpu.memory_space<hbm>> -> memref<100000x128xf32, #tpu.memory_space<hbm>>
    tpu.wait_indirect_dma semaphore(%arg7 : memref<!tpu.dma_semaphore, #tpu.memory_space<semaphore_mem>>) src(%dma_wait3A_40 : memref<100000x128xf32, #tpu.memory_space<hbm>>) dst(%dma_wait3A_35 : memref<128x128xf32, #tpu.memory_space<vmem>>)
    %dma_wait3A_41 = arith.constant 128 : i32
    %dma_wait3A_42 = arith.constant 0 : i32
    %dma_wait3A_43 = tpu.memref_slice %arg6[%dma_wait3A_41, %dma_wait3A_42] : memref<768x128xf32, #tpu.memory_space<vmem>> -> memref<128x128xf32, #tpu.memory_space<vmem>>
    %dma_wait3A_44 = arith.constant 6272 : i32
    %dma_wait3A_45 = tpu.memref_slice %arg5[%dma_wait3A_44] : memref<6400xi32, #tpu.memory_space<vmem>> -> memref<128xi32, #tpu.memory_space<vmem>>
    %dma_wait3A_46 = arith.constant 0 : i32
    %dma_wait3A_47 = arith.constant 0 : i32
    %dma_wait3A_48 = tpu.memref_slice %arg2[%dma_wait3A_46, %dma_wait3A_47] : memref<100000x128xf32, #tpu.memory_space<hbm>> -> memref<100000x128xf32, #tpu.memory_space<hbm>>
    tpu.wait_indirect_dma semaphore(%arg8 : memref<!tpu.dma_semaphore, #tpu.memory_space<semaphore_mem>>) src(%dma_wait3A_48 : memref<100000x128xf32, #tpu.memory_space<hbm>>) dst(%dma_wait3A_43 : memref<128x128xf32, #tpu.memory_space<vmem>>)
    %add3A_49 = arith.constant 6144 : i32
    %add3A_50 = arith.addi %mul3A_2, %add3A_49 : i32
    %dma_start3A_51 = arith.constant 0 : i32
    %dma_start3A_52 = arith.constant 0 : i32
    %dma_start3A_53 = tpu.memref_slice %arg6[%dma_start3A_51, %dma_start3A_52] : memref<768x128xf32, #tpu.memory_space<vmem>> -> memref<256x128xf32, #tpu.memory_space<vmem>>
    %dma_start3A_54 = arith.constant 0 : i32
    %dma_start3A_55 = tpu.memref_slice %arg4[%add3A_50, %dma_start3A_54] : memref<204800x128xf32, #tpu.memory_space<hbm>> -> memref<256x128xf32, #tpu.memory_space<hbm>>
    %dma_start3A_56 = arith.constant 0 : i32
    %dma_start3A_57 = tpu.memref_slice %arg4[%add3A_50, %dma_start3A_56] : memref<204800x128xf32, #tpu.memory_space<hbm>> -> memref<256x128xf32, #tpu.memory_space<hbm>>
    %dma_start3A_58 = arith.constant 0 : i32
    %dma_start3A_59 = arith.constant 0 : i32
    %dma_start3A_60 = tpu.memref_slice %arg6[%dma_start3A_58, %dma_start3A_59] : memref<768x128xf32, #tpu.memory_space<vmem>> -> memref<256x128xf32, #tpu.memory_space<vmem>>
    tpu.enqueue_dma source(%dma_start3A_60 : memref<256x128xf32, #tpu.memory_space<vmem>>) target(%dma_start3A_57 : memref<256x128xf32, #tpu.memory_space<hbm>>) target_semaphore(%arg13 : memref<!tpu.dma_semaphore, #tpu.memory_space<semaphore_mem>>)
    %add3A_61 = arith.constant 6144 : i32
    %add3A_62 = arith.addi %mul3A_2, %add3A_61 : i32
    %dma_wait3A_63 = arith.constant 0 : i32
    %dma_wait3A_64 = arith.constant 0 : i32
    %dma_wait3A_65 = tpu.memref_slice %arg6[%dma_wait3A_63, %dma_wait3A_64] : memref<768x128xf32, #tpu.memory_space<vmem>> -> memref<256x128xf32, #tpu.memory_space<vmem>>
    %dma_wait3A_66 = arith.constant 0 : i32
    %dma_wait3A_67 = tpu.memref_slice %arg4[%add3A_62, %dma_wait3A_66] : memref<204800x128xf32, #tpu.memory_space<hbm>> -> memref<256x128xf32, #tpu.memory_space<hbm>>
    %dma_wait3A_68 = arith.constant 0 : i32
    %dma_wait3A_69 = tpu.memref_slice %arg4[%add3A_62, %dma_wait3A_68] : memref<204800x128xf32, #tpu.memory_space<hbm>> -> memref<256x128xf32, #tpu.memory_space<hbm>>
    %dma_wait3A_70 = arith.constant 0 : i32
    %dma_wait3A_71 = arith.constant 0 : i32
    %dma_wait3A_72 = tpu.memref_slice %arg6[%dma_wait3A_70, %dma_wait3A_71] : memref<768x128xf32, #tpu.memory_space<vmem>> -> memref<256x128xf32, #tpu.memory_space<vmem>>
    tpu.wait_dma2 semaphore(%arg13 : memref<!tpu.dma_semaphore, #tpu.memory_space<semaphore_mem>>) src(%dma_wait3A_72 : memref<256x128xf32, #tpu.memory_space<vmem>>) dst(%dma_wait3A_69 : memref<256x128xf32, #tpu.memory_space<hbm>>)
    %add3A_73 = arith.constant 5632 : i32
    %add3A_74 = arith.addi %mul3A_2, %add3A_73 : i32
    %dma_wait3A_75 = arith.constant 256 : i32
    %dma_wait3A_76 = arith.constant 0 : i32
    %dma_wait3A_77 = tpu.memref_slice %arg6[%dma_wait3A_75, %dma_wait3A_76] : memref<768x128xf32, #tpu.memory_space<vmem>> -> memref<256x128xf32, #tpu.memory_space<vmem>>
    %dma_wait3A_78 = arith.constant 0 : i32
    %dma_wait3A_79 = tpu.memref_slice %arg4[%add3A_74, %dma_wait3A_78] : memref<204800x128xf32, #tpu.memory_space<hbm>> -> memref<256x128xf32, #tpu.memory_space<hbm>>
    %dma_wait3A_80 = arith.constant 0 : i32
    %dma_wait3A_81 = tpu.memref_slice %arg4[%add3A_74, %dma_wait3A_80] : memref<204800x128xf32, #tpu.memory_space<hbm>> -> memref<256x128xf32, #tpu.memory_space<hbm>>
    %dma_wait3A_82 = arith.constant 256 : i32
    %dma_wait3A_83 = arith.constant 0 : i32
    %dma_wait3A_84 = tpu.memref_slice %arg6[%dma_wait3A_82, %dma_wait3A_83] : memref<768x128xf32, #tpu.memory_space<vmem>> -> memref<256x128xf32, #tpu.memory_space<vmem>>
    tpu.wait_dma2 semaphore(%arg14 : memref<!tpu.dma_semaphore, #tpu.memory_space<semaphore_mem>>) src(%dma_wait3A_84 : memref<256x128xf32, #tpu.memory_space<vmem>>) dst(%dma_wait3A_81 : memref<256x128xf32, #tpu.memory_space<hbm>>)
    %add3A_85 = arith.constant 5888 : i32
    %add3A_86 = arith.addi %mul3A_2, %add3A_85 : i32
    %dma_wait3A_87 = arith.constant 512 : i32
    %dma_wait3A_88 = arith.constant 0 : i32
    %dma_wait3A_89 = tpu.memref_slice %arg6[%dma_wait3A_87, %dma_wait3A_88] : memref<768x128xf32, #tpu.memory_space<vmem>> -> memref<256x128xf32, #tpu.memory_space<vmem>>
    %dma_wait3A_90 = arith.constant 0 : i32
    %dma_wait3A_91 = tpu.memref_slice %arg4[%add3A_86, %dma_wait3A_90] : memref<204800x128xf32, #tpu.memory_space<hbm>> -> memref<256x128xf32, #tpu.memory_space<hbm>>
    %dma_wait3A_92 = arith.constant 0 : i32
    %dma_wait3A_93 = tpu.memref_slice %arg4[%add3A_86, %dma_wait3A_92] : memref<204800x128xf32, #tpu.memory_space<hbm>> -> memref<256x128xf32, #tpu.memory_space<hbm>>
    %dma_wait3A_94 = arith.constant 512 : i32
    %dma_wait3A_95 = arith.constant 0 : i32
    %dma_wait3A_96 = tpu.memref_slice %arg6[%dma_wait3A_94, %dma_wait3A_95] : memref<768x128xf32, #tpu.memory_space<vmem>> -> memref<256x128xf32, #tpu.memory_space<vmem>>
    tpu.wait_dma2 semaphore(%arg15 : memref<!tpu.dma_semaphore, #tpu.memory_space<semaphore_mem>>) src(%dma_wait3A_96 : memref<256x128xf32, #tpu.memory_space<vmem>>) dst(%dma_wait3A_93 : memref<256x128xf32, #tpu.memory_space<hbm>>)
    return
  }
}

</mosaic_0001>

<sc_bundles>
// kernel: kernel.3.cloned.1.call-start
scs
__scs_entry_jumppad:
0x0: {  	(pc) =	sbr.rel $0x88, $3  }
0x1: {  	(tag) =	ssettag $0x0;
	lr =	simm.s32 $0x1  }
0x2: {  	[smem:$0x3F9F] =	sst lr;
	_ =	strace $0xD0000000  }
0x3: {  	_ = 	snop  }
0x4: {  	_ = 	snop  }
0x5: {  	_ = 	snop  }
0x6: {  	_ = 	snop  }
0x7: {  	_ = 	snop  }
__scs_overlays_trampoline_lowered:
0x8: {  	[smem:$0x3FAE] =	sst s0  }
0x9: {  	[smem:$0x3FAF] =	sst s1  }
0xa: {  	[smem:$0x3FB0] =	sst s2  }
0xb: {  	[smem:$0x3FB1] =	sst s3  }
0xc: {  	[smem:$0x3FB2] =	sst s4  }
0xd: {  	[smem:$0x3FB3] =	sst s5  }
0xe: {  	[smem:$0x3FB4] =	sst s6  }
0xf: {  	[smem:$0x3FB5] =	sst s7  }
0x10: {  	[smem:$0x3FB6] =	sst s8  }
0x11: {  	[smem:$0x3FB7] =	sst s9;
	s0 =	simm.s32 @!p0 $0x0  }
0x12: {  	s1 =	sld [smem:$0x3F9D];
	s0 =	simm.s32 @p0 $0x1  }
0x13: {  	[smem:$0x3FB8] =	sst s0;
	s0 =	simm.s32 @!p1 $0x0  }
0x14: {  	s2 =	sld [smem:$0x3F9C];
	s0 =	simm.s32 @p1 $0x1  }
0x15: {  	[smem:$0x3FB9] =	sst s0;
	s0 =	simm.s32 @!p2 $0x0  }
0x16: {  	s3 =	sld [smem:$0x3FDB];
	s0 =	simm.s32 @p2 $0x1  }
0x17: {  	s4 =	simm.s32 $0x1BF5;
	[smem:$0x3FBB] =	sst s0  }
0x18: {  	s0 =	sld [smem:$0x3F9E];
	_ =	swait.ge [sflag:s4], $0x0  }
0x19: {  	s7 =	sld [smem:$0x3F9F]  }
0x1a: {  	s8 =	sadd.s32 $0xFFFFE003, lr  }
0x1b: {  	s9 =	sadd.s32 $0xFFFFFEF7, lr;
	s5 =	simm.s32 $0xFFFFFFFF;
	p2 =	slt.u32 s8, $0xFFFFF086  }
0x1c: {  	p1 =	slt.u32 s9, $0xF7A;
	s5 =	simm.s32 @!p2 $0x0  }
0x1d: {  	s5 =	simm.s32 @p1 $0x1;
	p0 =	seq.s32 s7, s2  }
0x1e: {  	s7 =	smul.u32 @!p0 $0xF7A, s2;
	p2 =	seq.s32 @!p0 s5, $0x0  }
0x1f: {  	s9 =	smul.u32 $0xF7A, s1;
	s8 =	simm.s32 @!p0 $0x1BF5;
	p2 =	por !p2, p0  }
0x20: {  	[sflag:s8] =	ssyncset.s32 @!p0 $0xFFFFF086;
	s6 =	sadd.s32 @!p0 s3, s7;
	s7 =	simm.s32 @!p0 $0x108  }
0x21: {  	s3 =	sadd.s32 s3, s9;
	s6 =	sadd.s32 @!p0 $0x88, s6;
	s7 =	simm.s32 @p2 $0x1082  }
0x22: {  	[simem:s7], [sflag:s8] =	dma.local @!p0 [hbm:s6], $0xF7A  }
0x23: {  	s9 =	sor.u32 $0xD0000000, s2;
	s6 =	simm.s32 $0x108;
	_ =	swait.ge @!p0 [sflag:s8], $0x0  }
0x24: {  	s3 =	sadd.s32 $0x88, s3;
	s6 =	simm.s32 @!p1 $0x1082;
	[sflag:s4] =	ssyncset.s32 $0xFFFFF086  }
0x25: {  	[simem:s6], [sflag:s4] =	dma.local [hbm:s3], $0xF7A  }
0x26: {  	[smem:$0x3F9F] =	sst s1;
	(tag) =	ssettag s2;
	_ =	strace s9  }
0x27: {  	s1 =	sld [smem:$0x3FAF]  }
0x28: {  	s2 =	sld [smem:$0x3FB0]  }
0x29: {  	s4 =	sld [smem:$0x3FB2]  }
0x2a: {  	p0 =	seq.s32 s5, $0x0;
	s5 =	sld [smem:$0x3FB3]  }
0x2b: {  	s6 =	sld [smem:$0x3FB4]  }
0x2c: {  	s7 =	sld [smem:$0x3FB5]  }
0x2d: {  	s3 =	simm.s32 $0x108;
	s8 =	sld [smem:$0x3FB6]  }
0x2e: {  	s3 =	simm.s32 @!p0 $0x1082;
	s9 =	sld [smem:$0x3FB7]  }
0x2f: {  	lr =	sadd.s32 s0, s3;
	s0 =	sld [smem:$0x3FAE]  }
0x30: {  	s3 =	sld [smem:$0x3FB1]  }
0x31: {  	[smem:$0x3FBA] =	sst s10  }
0x32: {  	s10 =	sld [smem:$0x3FB8];
	_ =	sdelay $0x3  }
0x33: {  	p0 =	seq.s32 s10, $0x1;
	s10 =	sld [smem:$0x3FBA];
	_ =	sdelay $0x3  }
0x34: {  	[smem:$0x3FBA] =	sst s10  }
0x35: {  	s10 =	sld [smem:$0x3FB9];
	_ =	sdelay $0x3  }
0x36: {  	p1 =	seq.s32 s10, $0x1;
	s10 =	sld [smem:$0x3FBA];
	_ =	sdelay $0x3  }
0x37: {  	[smem:$0x3FBA] =	sst s10  }
0x38: {  	s10 =	sld [smem:$0x3FBB]  }
0x39: {  	_ = 	snop;
	(pc) =	sbr.ind lr, $3  }
0x3a: {  	_ = 	snop  }
0x3b: {  	_ = 	snop  }
0x3c: {  	p2 =	seq.s32 s10, $0x1;
	s10 =	sld [smem:$0x3FBA]  }
0x3d: {  	_ =	shalt  }
0x3e: {  	_ =	shalt  }
0x3f: {  	_ =	shalt  }
0x40: {  	_ =	shalt  }
0x41: {  	_ =	shalt  }
0x42: {  	_ =	shalt  }
0x43: {  	_ =	shalt  }
0x44: {  	_ =	shalt  }
0x45: {  	_ =	shalt  }
0x46: {  	_ =	shalt  }
0x47: {  	_ =	shalt  }
0x48: {  	_ =	shalt  }
0x49: {  	_ =	shalt  }
0x4a: {  	_ =	shalt  }
0x4b: {  	_ =	shalt  }
0x4c: {  	_ =	shalt  }
0x4d: {  	_ =	shalt  }
0x4e: {  	_ =	shalt  }
0x4f: {  	_ =	shalt  }
0x50: {  	_ =	shalt  }
0x51: {  	_ =	shalt  }
0x52: {  	_ =	shalt  }
0x53: {  	_ =	shalt  }
0x54: {  	_ =	shalt  }
0x55: {  	_ =	shalt  }
0x56: {  	_ =	shalt  }
0x57: {  	_ =	shalt  }
0x58: {  	_ =	shalt  }
0x59: {  	_ =	shalt  }
0x5a: {  	_ =	shalt  }
0x5b: {  	_ =	shalt  }
0x5c: {  	_ =	shalt  }
0x5d: {  	_ =	shalt  }
0x5e: {  	_ =	shalt  }
0x5f: {  	_ =	shalt  }
0x60: {  	_ =	shalt  }
0x61: {  	_ =	shalt  }
0x62: {  	_ =	shalt  }
0x63: {  	_ =	shalt  }
0x64: {  	_ =	shalt  }
0x65: {  	_ =	shalt  }
0x66: {  	_ =	shalt  }
0x67: {  	_ =	shalt  }
0x68: {  	_ =	shalt  }
0x69: {  	_ =	shalt  }
0x6a: {  	_ =	shalt  }
0x6b: {  	_ =	shalt  }
0x6c: {  	_ =	shalt  }
0x6d: {  	_ =	shalt  }
0x6e: {  	_ =	shalt  }
0x6f: {  	_ =	shalt  }
0x70: {  	_ =	shalt  }
0x71: {  	_ =	shalt  }
0x72: {  	_ =	shalt  }
0x73: {  	_ =	shalt  }
0x74: {  	_ =	shalt  }
0x75: {  	_ =	shalt  }
0x76: {  	_ =	shalt  }
0x77: {  	_ =	shalt  }
0x78: {  	_ =	shalt  }
0x79: {  	_ =	shalt  }
0x7a: {  	_ =	shalt  }
0x7b: {  	_ =	shalt  }
0x7c: {  	_ =	shalt  }
0x7d: {  	_ =	shalt  }
0x7e: {  	_ =	shalt  }
0x7f: {  	_ =	shalt  }
0x80: {  	_ =	shalt  }
0x81: {  	_ =	shalt  }
0x82: {  	_ =	shalt  }
0x83: {  	_ =	shalt  }
0x84: {  	_ =	shalt  }
0x85: {  	_ =	shalt  }
0x86: {  	_ =	shalt  }
0x87: {  	_ =	shalt  }
.Lfunc_end0:
.L_simem_size_0:
called_computation_lowered:
.L_overlay_start_0:
0x88: {  	s2 =	sld [smem:$0x3FD9]  }
0x89: {  	s3 =	sld [smem:$0x3FFE];
	_ =	sdelay $0x1  }
0x8a: {  	s1 =	srdreg.scid  }
0x8b: {  	s0 =	sand.u32 $0x1, s1  }
0x8c: {  	s17 =	sshll.u32 s0, $0xA;
	s2 =	sadd.s32 s3, s2  }
0x8d: {  	s2 =	sadd.s32 s2, s17  }
0x8e: {  	[smem:$0x3FC6] =	sst s2  }
0x8f: {  	_ = 	snop  }
0x90: {  	s2 =	sld [smem:$0x3FC8]  }
0x91: {  	s18 =	sld [smem:$0x3FD0];
	(tm) =	ssettm $0x1  }
0x92: {  	s4 =	sld [smem:$0x3FFB];
	_ =	sdelay $0x3  }
0x93: {  	_ =	strace s4  }
0x94: {  	s4 =	sld [smem:$0x3FFC];
	_ =	sdelay $0x3  }
0x95: {  	_ =	strace s4  }
0x96: {  	s4 =	sld [smem:$0x3FFD];
	_ =	sdelay $0x3  }
0x97: {  	_ =	strace s4  }
0x98: {  	_ =	strace $0x8FFFFFFF  }
0x99: {  	s19 =	sld [smem:$0x3FDB];
	_ =	sdelay $0x1  }
0x9a: {  	s5 =	simm.s32 $_scs_section_size  }
0x9b: {  	s6 =	simm.s32 $_size__tile_overlayer_lowered;
	s7 =	simm.s32 $_tile_overlayer_lowered  }
0x9c: {  	s22 =	simm.s32 $0x1BFF;
	s21 =	sshll.u32 s7, $0x1;
	s4 =	sadd.s32 s5, s19  }
0x9d: {  	s8 =	simm.s32 $0x0;
	s20 =	sshll.u32 s6, $0x1;
	s6 =	sadd.s32 s21, s4  }
0x9e: {  	[timem:s8], [sflag:s22] =	dma.local [hbm:s6], s20  }
0x9f: {  	_ =	swait.ge [sflag:s22], s20  }
0xa0: {  	s5 =	ssub.s32 $0x0, s20;
	[sflag:s22] =	ssyncset.done $0x0  }
0xa1: {  	[sflag:s22] =	ssyncadd.s32 s5;
	_ =	sdelay $0x1  }
0xa2: {  	s23 =	simm.s32 $0x1B8B  }
0xa3: {  	_ =	swait.ge [sflag:s23], $0x1  }
0xa4: {  	[sflag:s23] =	ssyncset.done $0x0  }
0xa5: {  	s25 =	simm.s32 $0x1B8E;
	s24 =	sld [smem:$0x3FFE];
	[sflag:s23] =	ssyncadd.s32 $0xFFFFFFFF  }
0xa6: {  	s26 =	simm.s32 $execute0_lowered;
	[smem:$0x3FD2] =	sst s25  }
0xa7: {  	s6 =	sshll.u32 s26, $0x1;
	_ =	strace $0x80000046;
	[dreg:$0x1] =	wrdreg $0xFFFFFFFF  }
0xa8: {  	s28 =	simm.s32 $_size_execute0_lowered;
	s4 =	sadd.s32 s4, s6;
	[dreg:$0x0] =	wrdreg $0x0  }
0xa9: {  	s6 =	sshll.u32 s28, $0x1;
	[dreg:$0x2] =	wrdreg s4  }
0xaa: {  	[dreg:$0x3] =	wrdreg s6  }
0xab: {  	[dreg:$0x4] =	wrdreg $0xC0  }
0xac: {  	_ =	task [dreg:s8], $0x5FFFF  }
0xad: {  	[dreg:$0x1] =	wrdreg $0xFFFFFFFF  }
0xae: {  	[dreg:$0x0] =	wrdreg $0x60  }
0xaf: {  	[dreg:$0x2] =	wrdreg s2  }
0xb0: {  	[dreg:$0x3] =	wrdreg s24  }
0xb1: {  	[dreg:$0x4] =	wrdreg s18  }
0xb2: {  	[dreg:$0x5] =	wrdreg $0x9  }
0xb3: {  	_ =	task.clear_ibuf [dreg:s8], $0x6FFFF;
	_ =	strace $0x90000046  }
0xb4: {  	s29 =	simm.s32 $0x9;
	_ =	strace $0x80000048  }
0xb5: {  	_ =	swait.ge [sflag:s29], $0x1  }
0xb6: {  	[sflag:s29] =	ssyncadd.s32 $0xFFFFFFFF  }
0xb7: {  	_ =	strace $0x90000048  }
0xb8: {  	_ =	sfence  }
0xb9: {  	s30 =	sld [smem:$0x0];
	_ =	sdelay $0x2  }
0xba: {  	s31 =	sshll.u32 s1, $0xD;
	s1 =	sshrl.u32 s1, $0x2  }
0xbb: {  	s3 =	sand.u32 $0x4000, s31;
	s1 =	sadd.s32 s1, s30  }
0xbc: {  	s0 =	sor.u32 s3, s0;
	s1 =	sshll.u32 s1, $0x11  }
0xbd: {  	s0 =	sor.u32 s1, s0  }
0xbe: {  	s0 =	sadd.s32 $0x8F2B, s0  }
0xbf: {  	[sflag:s0] =	ssyncadd.remote.s32 $0x1  }
0xc0: {  	_ =	sfence.sel $0xFFFF  }
0xc1: {  	[dreg:$0x0] =	wrdreg $0xFFFFFFFF;
	(pc) =	sbr.abs _section_cstart, $3  }
0xc2: {  	[dreg:$0x1] =	wrdreg $0xFFFFFFFF  }
0xc3: {  	_ =	task.clear_ibuf [dreg:s8], $0x2FFFF;
	_ =	strace $0x9FFFFFFF  }
0xc4: {  	(tm) =	ssettm $0x7FFFFFFF  }
0xc5: {  	_ =	shalt  }
tec
execute0_lowered:
.L_overlay_start_1:
0x0: {  	(tag) =	ssettag $0x1  }
0x1: {  	s1 =	rddreg [dreg:$0x0]  }
0x2: {  	s0 =	rddreg [dreg:$0x1]  }
0x3: {  	s2 =	srdreg.scid;
	s11 =	stileid.u32  }
0x4: {  	s7 =	rddreg [dreg:$0x2];
	s13 =	simm.s32 $0xA;
	s14 =	simm.s32 $0x1900  }
0x5: {  	s15 =	simm.s32 $0x5900;
	s17 =	simm.s32 $0x9900;
	s19 =	simm.s32 $0xD900  }
0x6: {  	s28 =	simm.s32 $0x4;
	s29 =	simm.s32 $0x5;
	s30 =	simm.s32 $0x6  }
0x7: {  	s31 =	simm.s32 $0x7;
	s18 =	simm.s32 $0x0;
	s2 =	sand.u32 $0x1, s2  }
0x8: {  	s3 =	sshll.u32 s11, $0x1;
	s5 =	sshrl.u32 s11, $0x2;
	s24 =	smul.u32 $0x32000, s11  }
0x9: {  	s11 =	simm.s32 $0x80;
	s4 =	sor.u32 s2, s3;
	s5 =	smul.u32 $0xC800, s5  }
0xa: {  	s3 =	simm.s32 $0x0;
	s21 =	ssub.s32 $0x2, s2;
	s2 =	smul.u32 $0x19000, s2  }
0xb: {  	s6 =	sshll.u32 s4, $0x7;
	[smem:$0x7FF] =	sst s3;
	s8 =	smul.u32 $0xC8000, s4  }
0xc: {  	s22 =	sshrl.u32 s21, $0x1;
	s9 =	smul.u32 $0x19000, s4;
	s26 =	sadd.s32 s24, s7  }
0xd: {  	s24 =	simm.s32 $0x1;
	s6 =	sand.u32 $0x380, s6;
	_ =	strace $0x80000047  }
0xe: {  	s10 =	ssub.s32 s21, s22;
	s21 =	simm.s32 $0x11900;
	s5 =	sor.u32 s5, s6  }
0xf: {  	s23 =	sshrl.u32 s8, $0x3;
	s6 =	sadd.s32 s7, s9;
	s5 =	sshrl.u32 s5, $0x3  }
0x10: {  	s25 =	sadd.s32 s7, s23;
	s7 =	smax.u32 s10, $0x1;
	s8 =	sadd.s32 $0x1000, s6  }
0x11: {  	s9 =	sadd.s32 $0x2000, s6;
	s23 =	simm.s32 $0x15900;
	s0 =	sadd.s32 s5, s0  }
0x12: {  	s5 =	sadd.s32 $0x18000, s25;
	s25 =	simm.s32 $0x2;
	s0 =	sadd.s32 $0x400, s0  }
0x13: {  	[dreg:$0x4] =	wrdreg s0;
	s0 =	sadd.s32 s2, s26;
	s26 =	simm.s32 $0x3  }
0x14: {  	s2 =	simm.s32 $0x8;
	s12 =	sadd.s32 $0x5000, s0;
	s0 =	simm.s32 $0x9  }
.LBB2_1:
0x15: {  	s4 =	rddreg [dreg:$0x4];
	s10 =	simm.s32 $0x400  }
0x16: {  	[tilespmem:s3], [sflag:$0xA] =	stream.strided.gather [hbm4b:s4+s11], $0x1900, s10, s11, $0x38;
	[tilespmem:$0x19900] =	vst v63  }
0x17: {  	_ =	swait.ge [sflag:s13], $0x1900  }
0x18: {  	[sflag:s13] =	ssyncset.done $0x0  }
0x19: {  	[sflag:s13] =	ssyncadd.s32 $0xFFFFE700  }
0x1a: {  	[tilespmem:s14], [sflag:$0x1] =	stream.indirect.gather [hbm4b:s1+s11], $0x80, s3, s11, $0xb8;
	[tilespmem:$0x19900] =	vst v63  }
0x1b: {  	_ = 	snop  }
0x1c: {  	[tilespmem:s15], [sflag:$0x2] =	stream.indirect.gather [hbm4b:s1+s11], $0x80, s11, s11, $0xb8;
	[tilespmem:$0x19900] =	vst v63  }
0x1d: {  	s10 =	simm.s32 $0x100  }
0x1e: {  	[tilespmem:s17], [sflag:$0x3] =	stream.indirect.gather [hbm4b:s1+s11], $0x80, s10, s11, $0xb8;
	[tilespmem:$0x19900] =	vst v63  }
0x1f: {  	s16 =	simm.s32 $0x180  }
0x20: {  	[tilespmem:s19], [sflag:$0x4] =	stream.indirect.gather [hbm4b:s1+s11], $0x80, s16, s11, $0xb8;
	[tilespmem:$0x19900] =	vst v63  }
0x21: {  	s20 =	simm.s32 $0x200  }
0x22: {  	[tilespmem:s21], [sflag:$0x5] =	stream.indirect.gather [hbm4b:s1+s11], $0x80, s20, s11, $0xb8;
	[tilespmem:$0x19900] =	vst v63  }
0x23: {  	s22 =	simm.s32 $0x280  }
0x24: {  	[tilespmem:s23], [sflag:$0x6] =	stream.indirect.gather [hbm4b:s1+s11], $0x80, s22, s11, $0xb8;
	[tilespmem:$0x19900] =	vst v63  }
0x25: {  	_ =	swait.ge [sflag:s24], $0x4000  }
0x26: {  	[sflag:s24] =	ssyncset.done $0x0  }
0x27: {  	[sflag:s24] =	ssyncadd.s32 $0xFFFFC000  }
0x28: {  	_ =	swait.ge [sflag:s25], $0x4000  }
0x29: {  	[sflag:s25] =	ssyncset.done $0x0  }
0x2a: {  	[sflag:s25] =	ssyncadd.s32 $0xFFFFC000  }
0x2b: {  	[hbm4b:s6+s3] =	stream.linear.scatter [tilespmem:s14], [sflag:$0x7], $0x8000, $0x38;
	[tilespmem:$0x19900] =	vst v63  }
0x2c: {  	_ =	swait.ge [sflag:s26], $0x4000  }
0x2d: {  	[sflag:s26] =	ssyncset.done $0x0  }
0x2e: {  	[sflag:s26] =	ssyncadd.s32 $0xFFFFC000  }
0x2f: {  	_ =	swait.ge [sflag:s28], $0x4000  }
0x30: {  	[sflag:s28] =	ssyncset.done $0x0  }
0x31: {  	[sflag:s28] =	ssyncadd.s32 $0xFFFFC000  }
0x32: {  	[hbm4b:s8+s3] =	stream.linear.scatter [tilespmem:s17], [sflag:$0x8], $0x8000, $0x38;
	[tilespmem:$0x19900] =	vst v63  }
0x33: {  	_ =	swait.ge [sflag:s29], $0x4000  }
0x34: {  	[sflag:s29] =	ssyncset.done $0x0  }
0x35: {  	[sflag:s29] =	ssyncadd.s32 $0xFFFFC000  }
0x36: {  	_ =	swait.ge [sflag:s30], $0x4000  }
0x37: {  	[sflag:s30] =	ssyncset.done $0x0  }
0x38: {  	[sflag:s30] =	ssyncadd.s32 $0xFFFFC000  }
0x39: {  	[hbm4b:s9+s3] =	stream.linear.scatter [tilespmem:s21], [sflag:$0x9], $0x8000, $0x38;
	[tilespmem:$0x19900] =	vst v63  }
0x3a: {  	_ =	swait.ge [sflag:s31], $0x8000  }
0x3b: {  	[sflag:s31] =	ssyncset.done $0x0  }
0x3c: {  	s4 =	simm.s32 $0x300;
	[sflag:s31] =	ssyncadd.s32 $0xFFFF8000  }
0x3d: {  	[tilespmem:s14], [sflag:$0x1] =	stream.indirect.gather [hbm4b:s1+s11], $0x80, s4, s11, $0xb8;
	[tilespmem:$0x19900] =	vst v63  }
0x3e: {  	s16 =	simm.s32 $0x380  }
0x3f: {  	[tilespmem:s15], [sflag:$0x2] =	stream.indirect.gather [hbm4b:s1+s11], $0x80, s16, s11, $0xb8;
	[tilespmem:$0x19900] =	vst v63  }
0x40: {  	_ =	swait.ge [sflag:s2], $0x8000  }
0x41: {  	[sflag:s2] =	ssyncset.done $0x0  }
0x42: {  	s20 =	simm.s32 $0x400;
	[sflag:s2] =	ssyncadd.s32 $0xFFFF8000  }
0x43: {  	[tilespmem:s17], [sflag:$0x3] =	stream.indirect.gather [hbm4b:s1+s11], $0x80, s20, s11, $0xb8;
	[tilespmem:$0x19900] =	vst v63  }
0x44: {  	s22 =	simm.s32 $0x480  }
0x45: {  	[tilespmem:s19], [sflag:$0x4] =	stream.indirect.gather [hbm4b:s1+s11], $0x80, s22, s11, $0xb8;
	[tilespmem:$0x19900] =	vst v63  }
0x46: {  	_ =	swait.ge [sflag:s0], $0x8000  }
0x47: {  	[sflag:s0] =	ssyncset.done $0x0  }
0x48: {  	s4 =	simm.s32 $0x500;
	[sflag:s0] =	ssyncadd.s32 $0xFFFF8000  }
0x49: {  	[tilespmem:s21], [sflag:$0x5] =	stream.indirect.gather [hbm4b:s1+s11], $0x80, s4, s11, $0xb8;
	[tilespmem:$0x19900] =	vst v63  }
0x4a: {  	s16 =	simm.s32 $0x580  }
0x4b: {  	[tilespmem:s23], [sflag:$0x6] =	stream.indirect.gather [hbm4b:s1+s11], $0x80, s16, s11, $0xb8;
	[tilespmem:$0x19900] =	vst v63  }
0x4c: {  	_ =	swait.ge [sflag:s24], $0x4000  }
0x4d: {  	[sflag:s24] =	ssyncset.done $0x0  }
0x4e: {  	[sflag:s24] =	ssyncadd.s32 $0xFFFFC000  }
0x4f: {  	_ =	swait.ge [sflag:s25], $0x4000  }
0x50: {  	[sflag:s25] =	ssyncset.done $0x0  }
0x51: {  	s20 =	sadd.s32 $0xFFFFE000, s12;
	[sflag:s25] =	ssyncadd.s32 $0xFFFFC000  }
0x52: {  	[hbm4b:s20+s3] =	stream.linear.scatter [tilespmem:s14], [sflag:$0x7], $0x8000, $0x38;
	[tilespmem:$0x19900] =	vst v63  }
0x53: {  	_ =	swait.ge [sflag:s26], $0x4000  }
0x54: {  	[sflag:s26] =	ssyncset.done $0x0  }
0x55: {  	[sflag:s26] =	ssyncadd.s32 $0xFFFFC000  }
0x56: {  	_ =	swait.ge [sflag:s28], $0x4000  }
0x57: {  	[sflag:s28] =	ssyncset.done $0x0  }
0x58: {  	s22 =	sadd.s32 $0xFFFFF000, s12;
	[sflag:s28] =	ssyncadd.s32 $0xFFFFC000  }
0x59: {  	[hbm4b:s22+s3] =	stream.linear.scatter [tilespmem:s17], [sflag:$0x8], $0x8000, $0x38;
	[tilespmem:$0x19900] =	vst v63  }
0x5a: {  	_ =	swait.ge [sflag:s29], $0x4000  }
0x5b: {  	[sflag:s29] =	ssyncset.done $0x0  }
0x5c: {  	[sflag:s29] =	ssyncadd.s32 $0xFFFFC000  }
0x5d: {  	_ =	swait.ge [sflag:s30], $0x4000  }
0x5e: {  	s10 =	smov.u32 s12;
	[sflag:s30] =	ssyncset.done $0x0  }
0x5f: {  	s20 =	simm.s32 $0xC00;
	s22 =	sadd.s32 $0x3000, s12;
	[sflag:s30] =	ssyncadd.s32 $0xFFFFC000  }
.LBB2_2:
0x60: {  	[hbm4b:s10+s3] =	stream.linear.scatter [tilespmem:s21], [sflag:$0x9], $0x8000, $0x38;
	[tilespmem:$0x19900] =	vst v63  }
0x61: {  	s16 =	smov.u32 s20;
	s10 =	smov.u32 s22  }
0x62: {  	p0 =	sne.s32 s20, $0x4800;
	s20 =	sadd.s32 $0xC00, s20;
	_ =	swait.ge [sflag:s31], $0x8000  }
0x63: {  	s16 =	sshra.s32 s16, $0x2;
	[sflag:s31] =	ssyncset.done $0x0  }
0x64: {  	s4 =	sadd.s32 $0x300, s16;
	[sflag:s31] =	ssyncadd.s32 $0xFFFF8000  }
0x65: {  	[tilespmem:s14], [sflag:$0x1] =	stream.indirect.gather [hbm4b:s1+s11], $0x80, s4, s11, $0xb8;
	[tilespmem:$0x19900] =	vst v63  }
0x66: {  	s4 =	sadd.s32 $0x380, s16  }
0x67: {  	[tilespmem:s15], [sflag:$0x2] =	stream.indirect.gather [hbm4b:s1+s11], $0x80, s4, s11, $0xb8;
	[tilespmem:$0x19900] =	vst v63  }
0x68: {  	_ =	swait.ge [sflag:s2], $0x8000  }
0x69: {  	[sflag:s2] =	ssyncset.done $0x0  }
0x6a: {  	s4 =	sadd.s32 $0x400, s16;
	[sflag:s2] =	ssyncadd.s32 $0xFFFF8000  }
0x6b: {  	[tilespmem:s17], [sflag:$0x3] =	stream.indirect.gather [hbm4b:s1+s11], $0x80, s4, s11, $0xb8;
	[tilespmem:$0x19900] =	vst v63  }
0x6c: {  	s4 =	sadd.s32 $0x480, s16  }
0x6d: {  	[tilespmem:s19], [sflag:$0x4] =	stream.indirect.gather [hbm4b:s1+s11], $0x80, s4, s11, $0xb8;
	[tilespmem:$0x19900] =	vst v63  }
0x6e: {  	_ =	swait.ge [sflag:s0], $0x8000  }
0x6f: {  	[sflag:s0] =	ssyncset.done $0x0  }
0x70: {  	s4 =	sadd.s32 $0x500, s16;
	[sflag:s0] =	ssyncadd.s32 $0xFFFF8000  }
0x71: {  	[tilespmem:s21], [sflag:$0x5] =	stream.indirect.gather [hbm4b:s1+s11], $0x80, s4, s11, $0xb8;
	[tilespmem:$0x19900] =	vst v63  }
0x72: {  	s4 =	sadd.s32 $0x580, s16  }
0x73: {  	[tilespmem:s23], [sflag:$0x6] =	stream.indirect.gather [hbm4b:s1+s11], $0x80, s4, s11, $0xb8;
	[tilespmem:$0x19900] =	vst v63  }
0x74: {  	_ =	swait.ge [sflag:s24], $0x4000  }
0x75: {  	[sflag:s24] =	ssyncset.done $0x0  }
0x76: {  	[sflag:s24] =	ssyncadd.s32 $0xFFFFC000  }
0x77: {  	_ =	swait.ge [sflag:s25], $0x4000  }
0x78: {  	[sflag:s25] =	ssyncset.done $0x0  }
0x79: {  	s4 =	sadd.s32 $0xFFFFE000, s22;
	[sflag:s25] =	ssyncadd.s32 $0xFFFFC000  }
0x7a: {  	[hbm4b:s4+s3] =	stream.linear.scatter [tilespmem:s14], [sflag:$0x7], $0x8000, $0x38;
	[tilespmem:$0x19900] =	vst v63  }
0x7b: {  	_ =	swait.ge [sflag:s26], $0x4000  }
0x7c: {  	[sflag:s26] =	ssyncset.done $0x0  }
0x7d: {  	[sflag:s26] =	ssyncadd.s32 $0xFFFFC000  }
0x7e: {  	_ =	swait.ge [sflag:s28], $0x4000  }
0x7f: {  	[sflag:s28] =	ssyncset.done $0x0  }
0x80: {  	s4 =	sadd.s32 $0xFFFFF000, s22;
	[sflag:s28] =	ssyncadd.s32 $0xFFFFC000  }
0x81: {  	[hbm4b:s4+s3] =	stream.linear.scatter [tilespmem:s17], [sflag:$0x8], $0x8000, $0x38;
	[tilespmem:$0x19900] =	vst v63  }
0x82: {  	_ =	swait.ge [sflag:s29], $0x4000  }
.Ltmp0:
0x83: {  	[sflag:s29] =	ssyncset.done $0x0;
	(pc) =	sbr.rel @p0 .LBB2_2-.Ltmp0, $4  }
0x84: {  	[sflag:s29] =	ssyncadd.s32 $0xFFFFC000  }
0x85: {  	_ =	swait.ge [sflag:s30], $0x4000  }
0x86: {  	[sflag:s30] =	ssyncset.done $0x0  }
0x87: {  	s22 =	sadd.s32 $0x3000, s22;
	[sflag:s30] =	ssyncadd.s32 $0xFFFFC000  }
0x88: {  	[hbm4b:s10+s3] =	stream.linear.scatter [tilespmem:s21], [sflag:$0x9], $0x8000, $0x38;
	[tilespmem:$0x19900] =	vst v63  }
0x89: {  	_ =	swait.ge [sflag:s31], $0x8000  }
0x8a: {  	[sflag:s31] =	ssyncset.done $0x0  }
0x8b: {  	s4 =	simm.s32 $0x1800;
	[sflag:s31] =	ssyncadd.s32 $0xFFFF8000  }
0x8c: {  	[tilespmem:s14], [sflag:$0x1] =	stream.indirect.gather [hbm4b:s1+s11], $0x80, s4, s11, $0xb8;
	[tilespmem:$0x19900] =	vst v63  }
0x8d: {  	s22 =	simm.s32 $0x1880  }
0x8e: {  	[tilespmem:s15], [sflag:$0x2] =	stream.indirect.gather [hbm4b:s1+s11], $0x80, s22, s11, $0xb8;
	[tilespmem:$0x19900] =	vst v63  }
0x8f: {  	_ =	swait.ge [sflag:s24], $0x4000  }
0x90: {  	[sflag:s24] =	ssyncset.done $0x0  }
0x91: {  	[sflag:s24] =	ssyncadd.s32 $0xFFFFC000  }
0x92: {  	_ =	swait.ge [sflag:s25], $0x4000  }
0x93: {  	[sflag:s25] =	ssyncset.done $0x0  }
0x94: {  	[sflag:s25] =	ssyncadd.s32 $0xFFFFC000  }
0x95: {  	[hbm4b:s5+s3] =	stream.linear.scatter [tilespmem:s14], [sflag:$0x7], $0x8000, $0x38;
	[tilespmem:$0x19900] =	vst v63  }
0x96: {  	_ =	swait.ge [sflag:s31], $0x8000  }
0x97: {  	[sflag:s31] =	ssyncset.done $0x0  }
0x98: {  	s18 =	sadd.s32 $0x1, s18;
	[sflag:s31] =	ssyncadd.s32 $0xFFFF8000  }
0x99: {  	p0 =	sne.s32 s18, s7;
	_ =	swait.ge [sflag:s2], $0x8000  }
.Ltmp1:
0x9a: {  	[sflag:s2] =	ssyncset.done $0x0;
	(pc) =	sbr.rel @p0 .LBB2_1-.Ltmp1, $4  }
0x9b: {  	[sflag:s2] =	ssyncadd.s32 $0xFFFF8000  }
0x9c: {  	_ =	swait.ge [sflag:s0], $0x8000  }
0x9d: {  	[sflag:s0] =	ssyncset.done $0x0  }
0x9e: {  	[sflag:s0] =	ssyncadd.s32 $0xFFFF8000  }
0x9f: {  	_ =	sfence.sel $0x180000  }
0xa0: {  	[bflag:$0x0] =	sbarrier.arrive $0xFFFF  }
0xa1: {  	_ =	strace $0x90000047  }
0xa2: {  	s0 =	stileid.u32;
	[bflag:$0x2] =	sbarrier.arrive $0xFFFF  }
0xa3: {  	p0 =	sne.s32 s0, $0x0;
	s0 =	rddreg [dreg:$0x3]  }
0xa4: {  	s0 =	sadd.s32 @!p0 $0x100000, s0  }
0xa5: {  	[sflag:s0] =	ssyncadd.tile.s32 @!p0 $0x1;
	_ =	shalt  }
.Lfunc_end2:
_tile_overlayer_lowered:
.L_overlay_start_2:
0xa6: {  	(tag) =	ssettag $0x2  }
0xa7: {  	s0 =	rddreg [dreg:$0x0];
	s2 =	stileid.u32  }
0xa8: {  	s1 =	rddreg [dreg:$0x1];
	p0 =	sne.s32 s2, $0x0  }
0xa9: {  	s3 =	rddreg [dreg:$0x2];
	[bflag:$0x3] =	sbarrier.arrive $0xFFFF;
	s2 =	simm.s32 @!p0 $0x1C0A  }
0xaa: {  	[timem:s3], [sflag:s2] =	dma.local @!p0 [hbm:s0], s1  }
0xab: {  	s0 =	simm.s32 @!p0 $0xA  }
0xac: {  	_ =	swait.ge @!p0 [sflag:s0], s1  }
0xad: {  	s1 =	ssub.s32 @!p0 $0x0, s1;
	[sflag:s0] =	ssyncset.done @!p0 $0x0  }
0xae: {  	[sflag:s0] =	ssyncadd.s32 @!p0 s1  }
0xaf: {  	[bflag:$0x3] =	sbarrier.arrive $0xFFFF  }
0xb0: {  	_ =	shalt  }

</sc_bundles>
